<compile_context>
chip_gen: v7x
topology: tpu7x:2x2x1
jax: 0.10.2.dev20260603
libtpu: 0.0.44.dev20260713+nightly
codegen_flags: <defaults>
</compile_context>

<pallas_src>
import functools

import jax
import jax.numpy as jnp
from jax import lax
from jax.experimental import pallas as pl
from jax.experimental.pallas import tpu as pltpu
from jax.experimental.pallas import tpu_sc as plsc

BATCH = 128


def _xw_table(x, W):
    N, FIN = x.shape
    R, FOUT, _ = W.shape
    BN = 2000
    nb = N // BN

    def body(x_ref, w_ref, o_ref):
        o_ref[0] = lax.dot_general(
            x_ref[...], w_ref[0], (((1,), (1,)), ((), ())),
            preferred_element_type=jnp.float32)

    return pl.pallas_call(
        body,
        grid=(nb, R),
        in_specs=[
            pl.BlockSpec((BN, FIN), lambda i, r: (i, 0)),
            pl.BlockSpec((1, FOUT, FIN), lambda i, r: (r, 0, 0)),
        ],
        out_specs=pl.BlockSpec((1, BN, FOUT), lambda i, r: (r, i, 0)),
        out_shape=jax.ShapeDtypeStruct((R, N, FOUT), jnp.float32),
    )(x, W)


def _materialize(*arrays):
    def body(*refs):
        n = len(refs) // 2
        for i in range(n):
            refs[n + i][...] = refs[i][...]

    return pl.pallas_call(
        body,
        out_shape=[jax.ShapeDtypeStruct(a.shape, a.dtype) for a in arrays],
    )(*arrays)


def _combine(partials, N):
    NC, _, F = partials.shape
    BN = 2000
    nb = N // BN

    def body(p_ref, o_ref):
        o_ref[...] = jnp.sum(p_ref[...], axis=0)

    return pl.pallas_call(
        body,
        grid=(nb,),
        in_specs=[pl.BlockSpec((NC, BN, F), lambda i: (0, i, 0))],
        out_specs=pl.BlockSpec((BN, F), lambda i: (i, 0)),
        out_shape=jax.ShapeDtypeStruct((N, F), jnp.float32),
    )(partials)


def _sc_gather_scale_scatter(xw_flat, idx3, dst3, ew3, y0, *, nc, ns, nl):
    nw = nc * ns
    nbatch = idx3.shape[1]
    Np, F = y0.shape
    stripe = Np // ns
    ncolv = F // nl

    mesh = plsc.VectorSubcoreMesh(core_axis_name="c", subcore_axis_name="s")

    @functools.partial(
        pl.kernel,
        mesh=mesh,
        out_type=jax.ShapeDtypeStruct((nc, Np, F), jnp.float32),
        scratch_types=[
            pltpu.VMEM((BATCH,), jnp.int32),
            pltpu.VMEM((BATCH,), jnp.int32),
            pltpu.VMEM((BATCH,), jnp.float32),
            pltpu.VMEM((BATCH, F), jnp.float32),
            pltpu.VMEM_SHARED((Np, F), jnp.float32),
            pltpu.SemaphoreType.DMA,
            pltpu.SemaphoreType.DMA,
        ],
        compiler_params=pltpu.CompilerParams(needs_layout_passes=False),
    )
    def sc_k(xw_hbm, idx_hbm, dst_hbm, ew_hbm, y0_hbm, out_hbm,
             idx_v, dst_v, ew_v, rows_v, acc, gsem, ssem):
        c = lax.axis_index("c")
        s = lax.axis_index("s")
        wid = s * nc + c

        pltpu.sync_copy(y0_hbm.at[pl.ds(s * stripe, stripe)],
                        acc.at[pl.ds(s * stripe, stripe)])
        plsc.subcore_barrier()

        def batch_step(j, carry):
            pltpu.sync_copy(idx_hbm.at[wid, j], idx_v)
            pltpu.sync_copy(dst_hbm.at[wid, j], dst_v)
            pltpu.sync_copy(ew_hbm.at[wid, j], ew_v)

            pltpu.async_copy(xw_hbm.at[idx_v], rows_v, gsem).wait()

            def scale(i, acc_):
                w = plsc.load_gather(ew_v, [jnp.full((nl,), i, jnp.int32)])
                for t in range(ncolv):
                    sl = (i, pl.ds(t * nl, nl))
                    rows_v[sl] = rows_v[sl] * w
                return acc_

            lax.fori_loop(0, BATCH, scale, 0, unroll=2)

            pltpu.async_copy(rows_v, acc.at[dst_v], ssem, add=True).wait()
            return carry

        lax.fori_loop(0, nbatch, batch_step, 0)
        plsc.subcore_barrier()

        pltpu.sync_copy(acc.at[pl.ds(s * stripe, stripe)],
                        out_hbm.at[c, pl.ds(s * stripe, stripe)])

    return sc_k(xw_flat, idx3, dst3, ew3, y0)


def kernel(x, edge_index, edge_type, edge_weight, W):
    N, FIN = x.shape
    R, FOUT, _ = W.shape
    E = edge_type.shape[0]

    nc, ns, nl = 2, 16, 16
    nw = nc * ns

    xw = _xw_table(x, W)
    xw_flat = xw.reshape(R * N, FOUT)

    per_w = -(-E // (nw * BATCH)) * BATCH
    e_pad = per_w * nw
    pad = e_pad - E

    dst = edge_index[0]
    src = edge_index[1]
    flat_idx = edge_type * N + src

    zi = jnp.zeros((pad,), jnp.int32)
    idx3 = jnp.concatenate([flat_idx, zi]).reshape(nw, per_w // BATCH, BATCH)
    dst3 = jnp.concatenate([dst, zi]).reshape(nw, per_w // BATCH, BATCH)
    ew3 = jnp.concatenate([edge_weight, jnp.zeros((pad,), jnp.float32)]
                          ).reshape(nw, per_w // BATCH, BATCH)

    stripe = -(-(-(-N // ns)) // 8) * 8
    n_pad = stripe * ns
    y0 = jnp.zeros((n_pad, FOUT), jnp.float32)

    idx3, dst3, ew3, y0 = _materialize(idx3, dst3, ew3, y0)
    xw_flat, idx3, dst3, ew3, y0 = lax.optimization_barrier(
        (xw_flat, idx3, dst3, ew3, y0))

    partials = _sc_gather_scale_scatter(xw_flat, idx3, dst3, ew3, y0,
                                        nc=nc, ns=ns, nl=nl)
    return _combine(partials, N)

# --- scband reference (transcript-rebuilt; emitter-appended) ---
"""Pipeline reference for scband-rgcnsparse-tircomposable-layer-58411555226291 (READ-ONLY COPY).

The authoritative reference and input builder live on the scoring server;
editing this copy changes nothing except your own understanding.
"""

import jax, jax.numpy as jnp
import numpy as np

N = 10000
E = 320000
R = 8
FIN = 128
FOUT = 128


def setup_inputs(seed: int = 0) -> dict:
    key = jax.random.key(seed)
    k1, k2, k3, k4, k5 = jax.random.split(key, 5)
    x = jax.random.normal(k1, (N, FIN), dtype=jnp.float32)
    edge_index = jax.random.randint(k2, (2, E), 0, N, dtype=jnp.int32)
    edge_type = jax.random.randint(k3, (E,), 0, R, dtype=jnp.int32)
    edge_weight = jax.random.uniform(k4, (E,), dtype=jnp.float32)
    # learned relation-wise weights W[r, fout, fin] per rgcn_hetero_forward
    W = jax.random.normal(k5, (R, FOUT, FIN), dtype=jnp.float32) * 0.05
    return {"x": x, "edge_index": edge_index, "edge_type": edge_type,
            "edge_weight": edge_weight, "W": W}


def reference(x, edge_index, edge_type, edge_weight, W):
    # Faithful RGCN hetero forward:
    #   Y[i, fo] = sum_{r, (i,j) in E_r, fi} A[r,i,j] * W[r,fo,fi] * X[j,fi]
    # edge_index[0] = dst (i), edge_index[1] = src (j); A values = edge_weight.
    dst = edge_index[0]
    src = edge_index[1]
    # transform all node features by every relation weight: xw[r, n, fo]
    xw = jnp.einsum('nf,rof->rno', x, W)
    # gather the relation-specific transformed source feature per edge
    msg = xw[edge_type, src] * edge_weight[:, None]
    # scatter-add messages into destination nodes
    y = jnp.zeros((N, FOUT), dtype=x.dtype).at[dst].add(msg)
    return y

if __name__ == "__main__":
    import jax
    _d = setup_inputs()
    print(jax.jit(kernel)(*tuple(_d.values())))

</pallas_src>

<mosaic_0001>
#map = affine_map<(d0, d1) -> (0, 0)>
#map1 = affine_map<(d0, d1) -> (0, 0, 0)>
module attributes {stable_mosaic.version = 14 : i64} {
  func.func @sc_k(%arg0: i32, %arg1: i32, %arg2: memref<80000x128xf32, #tpu.memory_space<hbm>>, %arg3: memref<32x79x128xi32, #tpu.memory_space<hbm>>, %arg4: memref<32x79x128xi32, #tpu.memory_space<hbm>>, %arg5: memref<32x79x128xf32, #tpu.memory_space<hbm>>, %arg6: memref<10112x128xf32, #tpu.memory_space<hbm>>, %arg7: memref<2x10112x128xf32, #tpu.memory_space<hbm>>, %arg8: memref<128xi32, #tpu.memory_space<vmem>>, %arg9: memref<128xi32, #tpu.memory_space<vmem>>, %arg10: memref<128xf32, #tpu.memory_space<vmem>>, %arg11: memref<128x128xf32, #tpu.memory_space<vmem>>, %arg12: memref<10112x128xf32, #tpu.memory_space<vmem_shared>>, %arg13: memref<!tpu.dma_semaphore, #tpu.memory_space<semaphore_mem>>, %arg14: memref<!tpu.dma_semaphore, #tpu.memory_space<semaphore_mem>>) attributes {dimension_semantics = [#tpu.dimension_semantics<core_parallel>, #tpu.dimension_semantics<subcore_parallel>], iteration_bounds = array<i64: 2, 16>, scalar_prefetch = 0 : i64, scratch_operands = 7 : i64, tpu.core_type = #tpu.core_type<sc_vector_subcore>, window_params = [{transform_indices = #map}, {transform_indices = #map1}, {transform_indices = #map1}, {transform_indices = #map1}, {transform_indices = #map}, {transform_indices = #map1}]} {
    %mul3A = arith.constant 2 : i32
    %mul3A_0 = arith.muli %arg1, %mul3A : i32
    %add3A = arith.addi %mul3A_0, %arg0 : i32
    %mul3A_1 = arith.constant 632 : i32
    %mul3A_2 = arith.muli %arg1, %mul3A_1 : i32
    %mul3A_3 = arith.constant 632 : i32
    %mul3A_4 = arith.muli %arg1, %mul3A_3 : i32
    "tpu.region"() ({
      %run_scoped3A = tpu.sem_alloc : memref<!tpu.dma_semaphore, #tpu.memory_space<semaphore_mem>>
      %dma_start3A = arith.constant 0 : i32
      %dma_start3A_15 = tpu.memref_slice %arg12[%mul3A_4, %dma_start3A] : memref<10112x128xf32, #tpu.memory_space<vmem_shared>> -> memref<632x128xf32, #tpu.memory_space<vmem_shared>>
      %dma_start3A_16 = arith.constant 0 : i32
      %dma_start3A_17 = tpu.memref_slice %arg6[%mul3A_2, %dma_start3A_16] : memref<10112x128xf32, #tpu.memory_space<hbm>> -> memref<632x128xf32, #tpu.memory_space<hbm>>
      tpu.enqueue_dma source(%dma_start3A_17 : memref<632x128xf32, #tpu.memory_space<hbm>>) target(%dma_start3A_15 : memref<632x128xf32, #tpu.memory_space<vmem_shared>>) target_semaphore(%run_scoped3A : memref<!tpu.dma_semaphore, #tpu.memory_space<semaphore_mem>>)
      %dma_wait3A = arith.constant 0 : i32
      %dma_wait3A_18 = tpu.memref_slice %arg12[%mul3A_4, %dma_wait3A] : memref<10112x128xf32, #tpu.memory_space<vmem_shared>> -> memref<632x128xf32, #tpu.memory_space<vmem_shared>>
      %dma_wait3A_19 = arith.constant 0 : i32
      %dma_wait3A_20 = tpu.memref_slice %arg6[%mul3A_2, %dma_wait3A_19] : memref<10112x128xf32, #tpu.memory_space<hbm>> -> memref<632x128xf32, #tpu.memory_space<hbm>>
      tpu.wait_dma2 semaphore(%run_scoped3A : memref<!tpu.dma_semaphore, #tpu.memory_space<semaphore_mem>>) src(%dma_wait3A_20 : memref<632x128xf32, #tpu.memory_space<hbm>>) dst(%dma_wait3A_18 : memref<632x128xf32, #tpu.memory_space<vmem_shared>>)
      tpu.yield
    }) : () -> ()
    %barrier3A = arith.constant 0 : index
    tpu.barrier barrier_id(%barrier3A)
    %scan3A = arith.constant 0 : i32
    %scan3A_5 = arith.constant 0 : i32
    %scan3A_6 = arith.constant 79 : i32
    %scan3A_7 = arith.addi %scan3A_5, %scan3A_6 : i32
    %scan3A_8 = arith.constant 1 : i32
    scf.for %scan3A_15 = %scan3A_5 to %scan3A_7 step %scan3A_8  : i32 {
      "tpu.region"() ({
        %run_scoped3A = tpu.sem_alloc : memref<!tpu.dma_semaphore, #tpu.memory_space<semaphore_mem>>
        %dma_start3A_32 = arith.constant 0 : i32
        %dma_start3A_33 = tpu.memref_slice %arg3[%add3A, %scan3A_15, %dma_start3A_32] : memref<32x79x128xi32, #tpu.memory_space<hbm>> -> memref<1x1x128xi32, #tpu.memory_space<hbm>>
        %dma_start3A_34 = tpu.memref_squeeze %dma_start3A_33 : memref<1x1x128xi32, #tpu.memory_space<hbm>> -> memref<128xi32, #tpu.memory_space<hbm>>
        %dma_start3A_35 = arith.constant 0 : i32
        %dma_start3A_36 = tpu.memref_slice %arg3[%add3A, %scan3A_15, %dma_start3A_35] : memref<32x79x128xi32, #tpu.memory_space<hbm>> -> memref<1x1x128xi32, #tpu.memory_space<hbm>>
        %dma_start3A_37 = tpu.memref_squeeze %dma_start3A_36 : memref<1x1x128xi32, #tpu.memory_space<hbm>> -> memref<128xi32, #tpu.memory_space<hbm>>
        tpu.enqueue_dma source(%dma_start3A_37 : memref<128xi32, #tpu.memory_space<hbm>>) target(%arg8 : memref<128xi32, #tpu.memory_space<vmem>>) target_semaphore(%run_scoped3A : memref<!tpu.dma_semaphore, #tpu.memory_space<semaphore_mem>>)
        %dma_wait3A_38 = arith.constant 0 : i32
        %dma_wait3A_39 = tpu.memref_slice %arg3[%add3A, %scan3A_15, %dma_wait3A_38] : memref<32x79x128xi32, #tpu.memory_space<hbm>> -> memref<1x1x128xi32, #tpu.memory_space<hbm>>
        %dma_wait3A_40 = tpu.memref_squeeze %dma_wait3A_39 : memref<1x1x128xi32, #tpu.memory_space<hbm>> -> memref<128xi32, #tpu.memory_space<hbm>>
        %dma_wait3A_41 = arith.constant 0 : i32
        %dma_wait3A_42 = tpu.memref_slice %arg3[%add3A, %scan3A_15, %dma_wait3A_41] : memref<32x79x128xi32, #tpu.memory_space<hbm>> -> memref<1x1x128xi32, #tpu.memory_space<hbm>>
        %dma_wait3A_43 = tpu.memref_squeeze %dma_wait3A_42 : memref<1x1x128xi32, #tpu.memory_space<hbm>> -> memref<128xi32, #tpu.memory_space<hbm>>
        tpu.wait_dma2 semaphore(%run_scoped3A : memref<!tpu.dma_semaphore, #tpu.memory_space<semaphore_mem>>) src(%dma_wait3A_43 : memref<128xi32, #tpu.memory_space<hbm>>) dst(%arg8 : memref<128xi32, #tpu.memory_space<vmem>>)
        tpu.yield
      }) : () -> ()
      "tpu.region"() ({
        %run_scoped3A = tpu.sem_alloc : memref<!tpu.dma_semaphore, #tpu.memory_space<semaphore_mem>>
        %dma_start3A_32 = arith.constant 0 : i32
        %dma_start3A_33 = tpu.memref_slice %arg4[%add3A, %scan3A_15, %dma_start3A_32] : memref<32x79x128xi32, #tpu.memory_space<hbm>> -> memref<1x1x128xi32, #tpu.memory_space<hbm>>
        %dma_start3A_34 = tpu.memref_squeeze %dma_start3A_33 : memref<1x1x128xi32, #tpu.memory_space<hbm>> -> memref<128xi32, #tpu.memory_space<hbm>>
        %dma_start3A_35 = arith.constant 0 : i32
        %dma_start3A_36 = tpu.memref_slice %arg4[%add3A, %scan3A_15, %dma_start3A_35] : memref<32x79x128xi32, #tpu.memory_space<hbm>> -> memref<1x1x128xi32, #tpu.memory_space<hbm>>
        %dma_start3A_37 = tpu.memref_squeeze %dma_start3A_36 : memref<1x1x128xi32, #tpu.memory_space<hbm>> -> memref<128xi32, #tpu.memory_space<hbm>>
        tpu.enqueue_dma source(%dma_start3A_37 : memref<128xi32, #tpu.memory_space<hbm>>) target(%arg9 : memref<128xi32, #tpu.memory_space<vmem>>) target_semaphore(%run_scoped3A : memref<!tpu.dma_semaphore, #tpu.memory_space<semaphore_mem>>)
        %dma_wait3A_38 = arith.constant 0 : i32
        %dma_wait3A_39 = tpu.memref_slice %arg4[%add3A, %scan3A_15, %dma_wait3A_38] : memref<32x79x128xi32, #tpu.memory_space<hbm>> -> memref<1x1x128xi32, #tpu.memory_space<hbm>>
        %dma_wait3A_40 = tpu.memref_squeeze %dma_wait3A_39 : memref<1x1x128xi32, #tpu.memory_space<hbm>> -> memref<128xi32, #tpu.memory_space<hbm>>
        %dma_wait3A_41 = arith.constant 0 : i32
        %dma_wait3A_42 = tpu.memref_slice %arg4[%add3A, %scan3A_15, %dma_wait3A_41] : memref<32x79x128xi32, #tpu.memory_space<hbm>> -> memref<1x1x128xi32, #tpu.memory_space<hbm>>
        %dma_wait3A_43 = tpu.memref_squeeze %dma_wait3A_42 : memref<1x1x128xi32, #tpu.memory_space<hbm>> -> memref<128xi32, #tpu.memory_space<hbm>>
        tpu.wait_dma2 semaphore(%run_scoped3A : memref<!tpu.dma_semaphore, #tpu.memory_space<semaphore_mem>>) src(%dma_wait3A_43 : memref<128xi32, #tpu.memory_space<hbm>>) dst(%arg9 : memref<128xi32, #tpu.memory_space<vmem>>)
        tpu.yield
      }) : () -> ()
      "tpu.region"() ({
        %run_scoped3A = tpu.sem_alloc : memref<!tpu.dma_semaphore, #tpu.memory_space<semaphore_mem>>
        %dma_start3A_32 = arith.constant 0 : i32
        %dma_start3A_33 = tpu.memref_slice %arg5[%add3A, %scan3A_15, %dma_start3A_32] : memref<32x79x128xf32, #tpu.memory_space<hbm>> -> memref<1x1x128xf32, #tpu.memory_space<hbm>>
        %dma_start3A_34 = tpu.memref_squeeze %dma_start3A_33 : memref<1x1x128xf32, #tpu.memory_space<hbm>> -> memref<128xf32, #tpu.memory_space<hbm>>
        %dma_start3A_35 = arith.constant 0 : i32
        %dma_start3A_36 = tpu.memref_slice %arg5[%add3A, %scan3A_15, %dma_start3A_35] : memref<32x79x128xf32, #tpu.memory_space<hbm>> -> memref<1x1x128xf32, #tpu.memory_space<hbm>>
        %dma_start3A_37 = tpu.memref_squeeze %dma_start3A_36 : memref<1x1x128xf32, #tpu.memory_space<hbm>> -> memref<128xf32, #tpu.memory_space<hbm>>
        tpu.enqueue_dma source(%dma_start3A_37 : memref<128xf32, #tpu.memory_space<hbm>>) target(%arg10 : memref<128xf32, #tpu.memory_space<vmem>>) target_semaphore(%run_scoped3A : memref<!tpu.dma_semaphore, #tpu.memory_space<semaphore_mem>>)
        %dma_wait3A_38 = arith.constant 0 : i32
        %dma_wait3A_39 = tpu.memref_slice %arg5[%add3A, %scan3A_15, %dma_wait3A_38] : memref<32x79x128xf32, #tpu.memory_space<hbm>> -> memref<1x1x128xf32, #tpu.memory_space<hbm>>
        %dma_wait3A_40 = tpu.memref_squeeze %dma_wait3A_39 : memref<1x1x128xf32, #tpu.memory_space<hbm>> -> memref<128xf32, #tpu.memory_space<hbm>>
        %dma_wait3A_41 = arith.constant 0 : i32
        %dma_wait3A_42 = tpu.memref_slice %arg5[%add3A, %scan3A_15, %dma_wait3A_41] : memref<32x79x128xf32, #tpu.memory_space<hbm>> -> memref<1x1x128xf32, #tpu.memory_space<hbm>>
        %dma_wait3A_43 = tpu.memref_squeeze %dma_wait3A_42 : memref<1x1x128xf32, #tpu.memory_space<hbm>> -> memref<128xf32, #tpu.memory_space<hbm>>
        tpu.wait_dma2 semaphore(%run_scoped3A : memref<!tpu.dma_semaphore, #tpu.memory_space<semaphore_mem>>) src(%dma_wait3A_43 : memref<128xf32, #tpu.memory_space<hbm>>) dst(%arg10 : memref<128xf32, #tpu.memory_space<vmem>>)
        tpu.yield
      }) : () -> ()
      %dma_start3A = arith.constant 0 : i32
      %dma_start3A_16 = arith.constant 0 : i32
      %dma_start3A_17 = tpu.memref_slice %arg2[%dma_start3A, %dma_start3A_16] : memref<80000x128xf32, #tpu.memory_space<hbm>> -> memref<80000x128xf32, #tpu.memory_space<hbm>>
      tpu.enqueue_indirect_dma source(%dma_start3A_17 : memref<80000x128xf32, #tpu.memory_space<hbm>>) target(%arg11 : memref<128x128xf32, #tpu.memory_space<vmem>>) offsets(%arg8 : memref<128xi32, #tpu.memory_space<vmem>>) semaphore(%arg13 : memref<!tpu.dma_semaphore, #tpu.memory_space<semaphore_mem>>)
      %dma_wait3A = arith.constant 0 : i32
      %dma_wait3A_18 = arith.constant 0 : i32
      %dma_wait3A_19 = tpu.memref_slice %arg2[%dma_wait3A, %dma_wait3A_18] : memref<80000x128xf32, #tpu.memory_space<hbm>> -> memref<80000x128xf32, #tpu.memory_space<hbm>>
      tpu.wait_indirect_dma semaphore(%arg13 : memref<!tpu.dma_semaphore, #tpu.memory_space<semaphore_mem>>) src(%dma_wait3A_19 : memref<80000x128xf32, #tpu.memory_space<hbm>>) dst(%arg11 : memref<128x128xf32, #tpu.memory_space<vmem>>)
      %scan3A_20 = arith.constant 0 : i32
      %scan3A_21 = arith.constant 0 : i32
      %scan3A_22 = arith.constant 128 : i32
      %scan3A_23 = arith.addi %scan3A_21, %scan3A_22 : i32
      %scan3A_24 = arith.constant 2 : i32
      scf.for %scan3A_32 = %scan3A_21 to %scan3A_23 step %scan3A_24  : i32 {
        %broadcast_in_dim3A = vector.broadcast %scan3A_32 : i32 to vector<16xi32>
        %gather3A = tpu.vector_load_idx %arg10[%broadcast_in_dim3A] : memref<128xf32, #tpu.memory_space<vmem>>[vector<16xi32>], vector<16xf32>,
        %get3A = arith.index_cast %scan3A_32 : i32 to index
        %get3A_33 = arith.constant 0 : index
        %get3A_34 = tpu.vector_load %arg11[%get3A, %get3A_33] {strides = array<i32>} : memref<128x128xf32, #tpu.memory_space<vmem>>, vector<16xf32>,
        %mul3A_35 = arith.mulf %get3A_34, %gather3A : vector<16xf32>
        %swap3A = arith.index_cast %scan3A_32 : i32 to index
        %swap3A_36 = arith.constant 0 : index
        %swap3A_37 = tpu.vector_load %arg11[%swap3A, %swap3A_36] {strides = array<i32>} : memref<128x128xf32, #tpu.memory_space<vmem>>, vector<16xf32>,
        tpu.vector_store %arg11[%swap3A, %swap3A_36], %mul3A_35 {strides = array<i32>} : memref<128x128xf32, #tpu.memory_space<vmem>>, vector<16xf32>,
        %get3A_38 = arith.index_cast %scan3A_32 : i32 to index
        %get3A_39 = arith.constant 16 : index
        %get3A_40 = tpu.vector_load %arg11[%get3A_38, %get3A_39] {strides = array<i32>} : memref<128x128xf32, #tpu.memory_space<vmem>>, vector<16xf32>,
        %mul3A_41 = arith.mulf %get3A_40, %gather3A : vector<16xf32>
        %swap3A_42 = arith.index_cast %scan3A_32 : i32 to index
        %swap3A_43 = arith.constant 16 : index
        %swap3A_44 = tpu.vector_load %arg11[%swap3A_42, %swap3A_43] {strides = array<i32>} : memref<128x128xf32, #tpu.memory_space<vmem>>, vector<16xf32>,
        tpu.vector_store %arg11[%swap3A_42, %swap3A_43], %mul3A_41 {strides = array<i32>} : memref<128x128xf32, #tpu.memory_space<vmem>>, vector<16xf32>,
        %get3A_45 = arith.index_cast %scan3A_32 : i32 to index
        %get3A_46 = arith.constant 32 : index
        %get3A_47 = tpu.vector_load %arg11[%get3A_45, %get3A_46] {strides = array<i32>} : memref<128x128xf32, #tpu.memory_space<vmem>>, vector<16xf32>,
        %mul3A_48 = arith.mulf %get3A_47, %gather3A : vector<16xf32>
        %swap3A_49 = arith.index_cast %scan3A_32 : i32 to index
        %swap3A_50 = arith.constant 32 : index
        %swap3A_51 = tpu.vector_load %arg11[%swap3A_49, %swap3A_50] {strides = array<i32>} : memref<128x128xf32, #tpu.memory_space<vmem>>, vector<16xf32>,
        tpu.vector_store %arg11[%swap3A_49, %swap3A_50], %mul3A_48 {strides = array<i32>} : memref<128x128xf32, #tpu.memory_space<vmem>>, vector<16xf32>,
        %get3A_52 = arith.index_cast %scan3A_32 : i32 to index
        %get3A_53 = arith.constant 48 : index
        %get3A_54 = tpu.vector_load %arg11[%get3A_52, %get3A_53] {strides = array<i32>} : memref<128x128xf32, #tpu.memory_space<vmem>>, vector<16xf32>,
        %mul3A_55 = arith.mulf %get3A_54, %gather3A : vector<16xf32>
        %swap3A_56 = arith.index_cast %scan3A_32 : i32 to index
        %swap3A_57 = arith.constant 48 : index
        %swap3A_58 = tpu.vector_load %arg11[%swap3A_56, %swap3A_57] {strides = array<i32>} : memref<128x128xf32, #tpu.memory_space<vmem>>, vector<16xf32>,
        tpu.vector_store %arg11[%swap3A_56, %swap3A_57], %mul3A_55 {strides = array<i32>} : memref<128x128xf32, #tpu.memory_space<vmem>>, vector<16xf32>,
        %get3A_59 = arith.index_cast %scan3A_32 : i32 to index
        %get3A_60 = arith.constant 64 : index
        %get3A_61 = tpu.vector_load %arg11[%get3A_59, %get3A_60] {strides = array<i32>} : memref<128x128xf32, #tpu.memory_space<vmem>>, vector<16xf32>,
        %mul3A_62 = arith.mulf %get3A_61, %gather3A : vector<16xf32>
        %swap3A_63 = arith.index_cast %scan3A_32 : i32 to index
        %swap3A_64 = arith.constant 64 : index
        %swap3A_65 = tpu.vector_load %arg11[%swap3A_63, %swap3A_64] {strides = array<i32>} : memref<128x128xf32, #tpu.memory_space<vmem>>, vector<16xf32>,
        tpu.vector_store %arg11[%swap3A_63, %swap3A_64], %mul3A_62 {strides = array<i32>} : memref<128x128xf32, #tpu.memory_space<vmem>>, vector<16xf32>,
        %get3A_66 = arith.index_cast %scan3A_32 : i32 to index
        %get3A_67 = arith.constant 80 : index
        %get3A_68 = tpu.vector_load %arg11[%get3A_66, %get3A_67] {strides = array<i32>} : memref<128x128xf32, #tpu.memory_space<vmem>>, vector<16xf32>,
        %mul3A_69 = arith.mulf %get3A_68, %gather3A : vector<16xf32>
        %swap3A_70 = arith.index_cast %scan3A_32 : i32 to index
        %swap3A_71 = arith.constant 80 : index
        %swap3A_72 = tpu.vector_load %arg11[%swap3A_70, %swap3A_71] {strides = array<i32>} : memref<128x128xf32, #tpu.memory_space<vmem>>, vector<16xf32>,
        tpu.vector_store %arg11[%swap3A_70, %swap3A_71], %mul3A_69 {strides = array<i32>} : memref<128x128xf32, #tpu.memory_space<vmem>>, vector<16xf32>,
        %get3A_73 = arith.index_cast %scan3A_32 : i32 to index
        %get3A_74 = arith.constant 96 : index
        %get3A_75 = tpu.vector_load %arg11[%get3A_73, %get3A_74] {strides = array<i32>} : memref<128x128xf32, #tpu.memory_space<vmem>>, vector<16xf32>,
        %mul3A_76 = arith.mulf %get3A_75, %gather3A : vector<16xf32>
        %swap3A_77 = arith.index_cast %scan3A_32 : i32 to index
        %swap3A_78 = arith.constant 96 : index
        %swap3A_79 = tpu.vector_load %arg11[%swap3A_77, %swap3A_78] {strides = array<i32>} : memref<128x128xf32, #tpu.memory_space<vmem>>, vector<16xf32>,
        tpu.vector_store %arg11[%swap3A_77, %swap3A_78], %mul3A_76 {strides = array<i32>} : memref<128x128xf32, #tpu.memory_space<vmem>>, vector<16xf32>,
        %get3A_80 = arith.index_cast %scan3A_32 : i32 to index
        %get3A_81 = arith.constant 112 : index
        %get3A_82 = tpu.vector_load %arg11[%get3A_80, %get3A_81] {strides = array<i32>} : memref<128x128xf32, #tpu.memory_space<vmem>>, vector<16xf32>,
        %mul3A_83 = arith.mulf %get3A_82, %gather3A : vector<16xf32>
        %swap3A_84 = arith.index_cast %scan3A_32 : i32 to index
        %swap3A_85 = arith.constant 112 : index
        %swap3A_86 = tpu.vector_load %arg11[%swap3A_84, %swap3A_85] {strides = array<i32>} : memref<128x128xf32, #tpu.memory_space<vmem>>, vector<16xf32>,
        tpu.vector_store %arg11[%swap3A_84, %swap3A_85], %mul3A_83 {strides = array<i32>} : memref<128x128xf32, #tpu.memory_space<vmem>>, vector<16xf32>,
        %scan3A_87 = arith.constant 1 : i32
        %scan3A_88 = arith.addi %scan3A_32, %scan3A_87 : i32
        %broadcast_in_dim3A_89 = vector.broadcast %scan3A_88 : i32 to vector<16xi32>
        %gather3A_90 = tpu.vector_load_idx %arg10[%broadcast_in_dim3A_89] : memref<128xf32, #tpu.memory_space<vmem>>[vector<16xi32>], vector<16xf32>,
        %get3A_91 = arith.index_cast %scan3A_88 : i32 to index
        %get3A_92 = arith.constant 0 : index
        %get3A_93 = tpu.vector_load %arg11[%get3A_91, %get3A_92] {strides = array<i32>} : memref<128x128xf32, #tpu.memory_space<vmem>>, vector<16xf32>,
        %mul3A_94 = arith.mulf %get3A_93, %gather3A_90 : vector<16xf32>
        %swap3A_95 = arith.index_cast %scan3A_88 : i32 to index
        %swap3A_96 = arith.constant 0 : index
        %swap3A_97 = tpu.vector_load %arg11[%swap3A_95, %swap3A_96] {strides = array<i32>} : memref<128x128xf32, #tpu.memory_space<vmem>>, vector<16xf32>,
        tpu.vector_store %arg11[%swap3A_95, %swap3A_96], %mul3A_94 {strides = array<i32>} : memref<128x128xf32, #tpu.memory_space<vmem>>, vector<16xf32>,
        %get3A_98 = arith.index_cast %scan3A_88 : i32 to index
        %get3A_99 = arith.constant 16 : index
        %get3A_100 = tpu.vector_load %arg11[%get3A_98, %get3A_99] {strides = array<i32>} : memref<128x128xf32, #tpu.memory_space<vmem>>, vector<16xf32>,
        %mul3A_101 = arith.mulf %get3A_100, %gather3A_90 : vector<16xf32>
        %swap3A_102 = arith.index_cast %scan3A_88 : i32 to index
        %swap3A_103 = arith.constant 16 : index
        %swap3A_104 = tpu.vector_load %arg11[%swap3A_102, %swap3A_103] {strides = array<i32>} : memref<128x128xf32, #tpu.memory_space<vmem>>, vector<16xf32>,
        tpu.vector_store %arg11[%swap3A_102, %swap3A_103], %mul3A_101 {strides = array<i32>} : memref<128x128xf32, #tpu.memory_space<vmem>>, vector<16xf32>,
        %get3A_105 = arith.index_cast %scan3A_88 : i32 to index
        %get3A_106 = arith.constant 32 : index
        %get3A_107 = tpu.vector_load %arg11[%get3A_105, %get3A_106] {strides = array<i32>} : memref<128x128xf32, #tpu.memory_space<vmem>>, vector<16xf32>,
        %mul3A_108 = arith.mulf %get3A_107, %gather3A_90 : vector<16xf32>
        %swap3A_109 = arith.index_cast %scan3A_88 : i32 to index
        %swap3A_110 = arith.constant 32 : index
        %swap3A_111 = tpu.vector_load %arg11[%swap3A_109, %swap3A_110] {strides = array<i32>} : memref<128x128xf32, #tpu.memory_space<vmem>>, vector<16xf32>,
        tpu.vector_store %arg11[%swap3A_109, %swap3A_110], %mul3A_108 {strides = array<i32>} : memref<128x128xf32, #tpu.memory_space<vmem>>, vector<16xf32>,
        %get3A_112 = arith.index_cast %scan3A_88 : i32 to index
        %get3A_113 = arith.constant 48 : index
        %get3A_114 = tpu.vector_load %arg11[%get3A_112, %get3A_113] {strides = array<i32>} : memref<128x128xf32, #tpu.memory_space<vmem>>, vector<16xf32>,
        %mul3A_115 = arith.mulf %get3A_114, %gather3A_90 : vector<16xf32>
        %swap3A_116 = arith.index_cast %scan3A_88 : i32 to index
        %swap3A_117 = arith.constant 48 : index
        %swap3A_118 = tpu.vector_load %arg11[%swap3A_116, %swap3A_117] {strides = array<i32>} : memref<128x128xf32, #tpu.memory_space<vmem>>, vector<16xf32>,
        tpu.vector_store %arg11[%swap3A_116, %swap3A_117], %mul3A_115 {strides = array<i32>} : memref<128x128xf32, #tpu.memory_space<vmem>>, vector<16xf32>,
        %get3A_119 = arith.index_cast %scan3A_88 : i32 to index
        %get3A_120 = arith.constant 64 : index
        %get3A_121 = tpu.vector_load %arg11[%get3A_119, %get3A_120] {strides = array<i32>} : memref<128x128xf32, #tpu.memory_space<vmem>>, vector<16xf32>,
        %mul3A_122 = arith.mulf %get3A_121, %gather3A_90 : vector<16xf32>
        %swap3A_123 = arith.index_cast %scan3A_88 : i32 to index
        %swap3A_124 = arith.constant 64 : index
        %swap3A_125 = tpu.vector_load %arg11[%swap3A_123, %swap3A_124] {strides = array<i32>} : memref<128x128xf32, #tpu.memory_space<vmem>>, vector<16xf32>,
        tpu.vector_store %arg11[%swap3A_123, %swap3A_124], %mul3A_122 {strides = array<i32>} : memref<128x128xf32, #tpu.memory_space<vmem>>, vector<16xf32>,
        %get3A_126 = arith.index_cast %scan3A_88 : i32 to index
        %get3A_127 = arith.constant 80 : index
        %get3A_128 = tpu.vector_load %arg11[%get3A_126, %get3A_127] {strides = array<i32>} : memref<128x128xf32, #tpu.memory_space<vmem>>, vector<16xf32>,
        %mul3A_129 = arith.mulf %get3A_128, %gather3A_90 : vector<16xf32>
        %swap3A_130 = arith.index_cast %scan3A_88 : i32 to index
        %swap3A_131 = arith.constant 80 : index
        %swap3A_132 = tpu.vector_load %arg11[%swap3A_130, %swap3A_131] {strides = array<i32>} : memref<128x128xf32, #tpu.memory_space<vmem>>, vector<16xf32>,
        tpu.vector_store %arg11[%swap3A_130, %swap3A_131], %mul3A_129 {strides = array<i32>} : memref<128x128xf32, #tpu.memory_space<vmem>>, vector<16xf32>,
        %get3A_133 = arith.index_cast %scan3A_88 : i32 to index
        %get3A_134 = arith.constant 96 : index
        %get3A_135 = tpu.vector_load %arg11[%get3A_133, %get3A_134] {strides = array<i32>} : memref<128x128xf32, #tpu.memory_space<vmem>>, vector<16xf32>,
        %mul3A_136 = arith.mulf %get3A_135, %gather3A_90 : vector<16xf32>
        %swap3A_137 = arith.index_cast %scan3A_88 : i32 to index
        %swap3A_138 = arith.constant 96 : index
        %swap3A_139 = tpu.vector_load %arg11[%swap3A_137, %swap3A_138] {strides = array<i32>} : memref<128x128xf32, #tpu.memory_space<vmem>>, vector<16xf32>,
        tpu.vector_store %arg11[%swap3A_137, %swap3A_138], %mul3A_136 {strides = array<i32>} : memref<128x128xf32, #tpu.memory_space<vmem>>, vector<16xf32>,
        %get3A_140 = arith.index_cast %scan3A_88 : i32 to index
        %get3A_141 = arith.constant 112 : index
        %get3A_142 = tpu.vector_load %arg11[%get3A_140, %get3A_141] {strides = array<i32>} : memref<128x128xf32, #tpu.memory_space<vmem>>, vector<16xf32>,
        %mul3A_143 = arith.mulf %get3A_142, %gather3A_90 : vector<16xf32>
        %swap3A_144 = arith.index_cast %scan3A_88 : i32 to index
        %swap3A_145 = arith.constant 112 : index
        %swap3A_146 = tpu.vector_load %arg11[%swap3A_144, %swap3A_145] {strides = array<i32>} : memref<128x128xf32, #tpu.memory_space<vmem>>, vector<16xf32>,
        tpu.vector_store %arg11[%swap3A_144, %swap3A_145], %mul3A_143 {strides = array<i32>} : memref<128x128xf32, #tpu.memory_space<vmem>>, vector<16xf32>,
      }
      %scan3A_25 = arith.constant 128 : i32
      %dma_start3A_26 = arith.constant 0 : i32
      %dma_start3A_27 = arith.constant 0 : i32
      %dma_start3A_28 = tpu.memref_slice %arg12[%dma_start3A_26, %dma_start3A_27] : memref<10112x128xf32, #tpu.memory_space<vmem_shared>> -> memref<10112x128xf32, #tpu.memory_space<vmem_shared>>
      tpu.enqueue_indirect_dma source(%arg11 : memref<128x128xf32, #tpu.memory_space<vmem>>) target(%dma_start3A_28 : memref<10112x128xf32, #tpu.memory_space<vmem_shared>>) offsets(%arg9 : memref<128xi32, #tpu.memory_space<vmem>>) semaphore(%arg14 : memref<!tpu.dma_semaphore, #tpu.memory_space<semaphore_mem>>) {add = true}
      %dma_wait3A_29 = arith.constant 0 : i32
      %dma_wait3A_30 = arith.constant 0 : i32
      %dma_wait3A_31 = tpu.memref_slice %arg12[%dma_wait3A_29, %dma_wait3A_30] : memref<10112x128xf32, #tpu.memory_space<vmem_shared>> -> memref<10112x128xf32, #tpu.memory_space<vmem_shared>>
      tpu.wait_indirect_dma semaphore(%arg14 : memref<!tpu.dma_semaphore, #tpu.memory_space<semaphore_mem>>) src(%arg11 : memref<128x128xf32, #tpu.memory_space<vmem>>) dst(%dma_wait3A_31 : memref<10112x128xf32, #tpu.memory_space<vmem_shared>>)
    }
    %scan3A_9 = arith.constant 79 : i32
    %barrier3A_10 = arith.constant 0 : index
    tpu.barrier barrier_id(%barrier3A_10)
    %mul3A_11 = arith.constant 632 : i32
    %mul3A_12 = arith.muli %arg1, %mul3A_11 : i32
    %mul3A_13 = arith.constant 632 : i32
    %mul3A_14 = arith.muli %arg1, %mul3A_13 : i32
    "tpu.region"() ({
      %run_scoped3A = tpu.sem_alloc : memref<!tpu.dma_semaphore, #tpu.memory_space<semaphore_mem>>
      %dma_start3A = arith.constant 0 : i32
      %dma_start3A_15 = tpu.memref_slice %arg7[%arg0, %mul3A_14, %dma_start3A] : memref<2x10112x128xf32, #tpu.memory_space<hbm>> -> memref<1x632x128xf32, #tpu.memory_space<hbm>>
      %dma_start3A_16 = tpu.memref_squeeze %dma_start3A_15 : memref<1x632x128xf32, #tpu.memory_space<hbm>> -> memref<632x128xf32, #tpu.memory_space<hbm>>
      %dma_start3A_17 = arith.constant 0 : i32
      %dma_start3A_18 = tpu.memref_slice %arg12[%mul3A_12, %dma_start3A_17] : memref<10112x128xf32, #tpu.memory_space<vmem_shared>> -> memref<632x128xf32, #tpu.memory_space<vmem_shared>>
      tpu.enqueue_dma source(%dma_start3A_18 : memref<632x128xf32, #tpu.memory_space<vmem_shared>>) target(%dma_start3A_16 : memref<632x128xf32, #tpu.memory_space<hbm>>) target_semaphore(%run_scoped3A : memref<!tpu.dma_semaphore, #tpu.memory_space<semaphore_mem>>)
      %dma_wait3A = arith.constant 0 : i32
      %dma_wait3A_19 = tpu.memref_slice %arg7[%arg0, %mul3A_14, %dma_wait3A] : memref<2x10112x128xf32, #tpu.memory_space<hbm>> -> memref<1x632x128xf32, #tpu.memory_space<hbm>>
      %dma_wait3A_20 = tpu.memref_squeeze %dma_wait3A_19 : memref<1x632x128xf32, #tpu.memory_space<hbm>> -> memref<632x128xf32, #tpu.memory_space<hbm>>
      %dma_wait3A_21 = arith.constant 0 : i32
      %dma_wait3A_22 = tpu.memref_slice %arg12[%mul3A_12, %dma_wait3A_21] : memref<10112x128xf32, #tpu.memory_space<vmem_shared>> -> memref<632x128xf32, #tpu.memory_space<vmem_shared>>
      tpu.wait_dma2 semaphore(%run_scoped3A : memref<!tpu.dma_semaphore, #tpu.memory_space<semaphore_mem>>) src(%dma_wait3A_22 : memref<632x128xf32, #tpu.memory_space<vmem_shared>>) dst(%dma_wait3A_20 : memref<632x128xf32, #tpu.memory_space<hbm>>)
      tpu.yield
    }) : () -> ()
    return
  }
}

module attributes {stable_mosaic.version = 14 : i64} {
  func.func @body(%arg0: i32, %arg1: i32, %arg2: memref<2000x128xf32, #tpu.memory_space<vmem>>, %arg3: memref<1x128x128xf32, #tpu.memory_space<vmem>>, %arg4: memref<1x2000x128xf32, #tpu.memory_space<vmem>>) attributes {dimension_semantics = [#tpu.dimension_semantics<arbitrary>, #tpu.dimension_semantics<arbitrary>], iteration_bounds = array<i64: 5, 8>, scalar_prefetch = 0 : i64, scratch_operands = 0 : i64, tpu.core_type = #tpu.core_type<tc>, window_params = [{transform_indices = @transform_0, window_bounds = array<i64: 2000, 128>}, {transform_indices = @transform_1, window_bounds = array<i64: 1, 128, 128>}, {transform_indices = @transform_2, window_bounds = array<i64: 1, 2000, 128>}]} {
    %get3A = arith.constant 0 : index
    %get3A_0 = arith.constant 0 : index
    %get3A_1 = vector.load %arg2[%get3A, %get3A_0] : memref<2000x128xf32, #tpu.memory_space<vmem>>, vector<2000x128xf32>
    %get3A_2 = arith.constant 0 : index
    %get3A_3 = arith.constant 0 : index
    %get3A_4 = arith.constant 0 : index
    %get3A_5 = vector.load %arg3[%get3A_2, %get3A_3, %get3A_4] : memref<1x128x128xf32, #tpu.memory_space<vmem>>, vector<1x128x128xf32>
    %get3A_6 = vector.shape_cast %get3A_5 : vector<1x128x128xf32> to vector<128x128xf32>
    %dot_general3A = arith.constant dense<0.000000e+00> : vector<2000x128xf32>
    %dot_general3A_7 = tpu.matmul %get3A_1, %get3A_6, %dot_general3A {dimension_numbers = #tpu.dot_dimension_numbers<[1], [1], [0], [0], [0, 0, 1, 0], [], []>, transpose_lhs_hint = false} : vector<2000x128xf32>, vector<128x128xf32>, vector<2000x128xf32> -> vector<2000x128xf32>
    %swap3A = arith.constant 0 : index
    %swap3A_8 = arith.constant 0 : index
    %swap3A_9 = arith.constant 0 : index
    %swap3A_10 = vector.load %arg4[%swap3A, %swap3A_8, %swap3A_9] : memref<1x2000x128xf32, #tpu.memory_space<vmem>>, vector<1x2000x128xf32>
    %swap3A_11 = vector.shape_cast %swap3A_10 : vector<1x2000x128xf32> to vector<2000x128xf32>
    %swap3A_12 = vector.shape_cast %dot_general3A_7 : vector<2000x128xf32> to vector<1x2000x128xf32>
    tpu.vector_store %arg4[%swap3A, %swap3A_8, %swap3A_9], %swap3A_12 {strides = array<i32>} : memref<1x2000x128xf32, #tpu.memory_space<vmem>>, vector<1x2000x128xf32>,
    return
  }
  func.func @transform_0(%arg0: i32, %arg1: i32) -> (i32, i32) {
    %c0_i32 = arith.constant 0 : i32
    %c0_i32_0 = arith.constant 0 : i32
    return %arg0, %c0_i32 : i32, i32
  }
  func.func @transform_1(%arg0: i32, %arg1: i32) -> (i32, i32, i32) {
    %c0_i32 = arith.constant 0 : i32
    %c0_i32_0 = arith.constant 0 : i32
    %c0_i32_1 = arith.constant 0 : i32
    return %arg1, %c0_i32, %c0_i32_0 : i32, i32, i32
  }
  func.func @transform_2(%arg0: i32, %arg1: i32) -> (i32, i32, i32) {
    %c0_i32 = arith.constant 0 : i32
    %c0_i32_0 = arith.constant 0 : i32
    return %arg1, %arg0, %c0_i32 : i32, i32, i32
  }
}

module attributes {stable_mosaic.version = 14 : i64} {
  func.func @body(%arg0: memref<32x79x128xi32, #tpu.memory_space<vmem>>, %arg1: memref<32x79x128xi32, #tpu.memory_space<vmem>>, %arg2: memref<32x79x128xf32, #tpu.memory_space<vmem>>, %arg3: memref<10112x128xf32, #tpu.memory_space<vmem>>, %arg4: memref<32x79x128xi32, #tpu.memory_space<vmem>>, %arg5: memref<32x79x128xi32, #tpu.memory_space<vmem>>, %arg6: memref<32x79x128xf32, #tpu.memory_space<vmem>>, %arg7: memref<10112x128xf32, #tpu.memory_space<vmem>>) attributes {dimension_semantics = [], scalar_prefetch = 0 : i64, scratch_operands = 0 : i64, tpu.core_type = #tpu.core_type<tc>} {
    %get3A = arith.constant 0 : index
    %get3A_0 = arith.constant 0 : index
    %get3A_1 = arith.constant 0 : index
    %get3A_2 = vector.load %arg0[%get3A, %get3A_0, %get3A_1] : memref<32x79x128xi32, #tpu.memory_space<vmem>>, vector<32x79x128xi32>
    %swap3A = arith.constant 0 : index
    %swap3A_3 = arith.constant 0 : index
    %swap3A_4 = arith.constant 0 : index
    %swap3A_5 = vector.load %arg4[%swap3A, %swap3A_3, %swap3A_4] : memref<32x79x128xi32, #tpu.memory_space<vmem>>, vector<32x79x128xi32>
    tpu.vector_store %arg4[%swap3A, %swap3A_3, %swap3A_4], %get3A_2 {strides = array<i32>} : memref<32x79x128xi32, #tpu.memory_space<vmem>>, vector<32x79x128xi32>,
    %get3A_6 = arith.constant 0 : index
    %get3A_7 = arith.constant 0 : index
    %get3A_8 = arith.constant 0 : index
    %get3A_9 = vector.load %arg1[%get3A_6, %get3A_7, %get3A_8] : memref<32x79x128xi32, #tpu.memory_space<vmem>>, vector<32x79x128xi32>
    %swap3A_10 = arith.constant 0 : index
    %swap3A_11 = arith.constant 0 : index
    %swap3A_12 = arith.constant 0 : index
    %swap3A_13 = vector.load %arg5[%swap3A_10, %swap3A_11, %swap3A_12] : memref<32x79x128xi32, #tpu.memory_space<vmem>>, vector<32x79x128xi32>
    tpu.vector_store %arg5[%swap3A_10, %swap3A_11, %swap3A_12], %get3A_9 {strides = array<i32>} : memref<32x79x128xi32, #tpu.memory_space<vmem>>, vector<32x79x128xi32>,
    %get3A_14 = arith.constant 0 : index
    %get3A_15 = arith.constant 0 : index
    %get3A_16 = arith.constant 0 : index
    %get3A_17 = vector.load %arg2[%get3A_14, %get3A_15, %get3A_16] : memref<32x79x128xf32, #tpu.memory_space<vmem>>, vector<32x79x128xf32>
    %swap3A_18 = arith.constant 0 : index
    %swap3A_19 = arith.constant 0 : index
    %swap3A_20 = arith.constant 0 : index
    %swap3A_21 = vector.load %arg6[%swap3A_18, %swap3A_19, %swap3A_20] : memref<32x79x128xf32, #tpu.memory_space<vmem>>, vector<32x79x128xf32>
    tpu.vector_store %arg6[%swap3A_18, %swap3A_19, %swap3A_20], %get3A_17 {strides = array<i32>} : memref<32x79x128xf32, #tpu.memory_space<vmem>>, vector<32x79x128xf32>,
    %get3A_22 = arith.constant 0 : index
    %get3A_23 = arith.constant 0 : index
    %get3A_24 = vector.load %arg3[%get3A_22, %get3A_23] : memref<10112x128xf32, #tpu.memory_space<vmem>>, vector<10112x128xf32>
    %swap3A_25 = arith.constant 0 : index
    %swap3A_26 = arith.constant 0 : index
    %swap3A_27 = vector.load %arg7[%swap3A_25, %swap3A_26] : memref<10112x128xf32, #tpu.memory_space<vmem>>, vector<10112x128xf32>
    tpu.vector_store %arg7[%swap3A_25, %swap3A_26], %get3A_24 {strides = array<i32>} : memref<10112x128xf32, #tpu.memory_space<vmem>>, vector<10112x128xf32>,
    return
  }
}

module attributes {stable_mosaic.version = 14 : i64} {
  func.func @body(%arg0: i32, %arg1: memref<2x2000x128xf32, #tpu.memory_space<vmem>>, %arg2: memref<2000x128xf32, #tpu.memory_space<vmem>>) attributes {dimension_semantics = [#tpu.dimension_semantics<arbitrary>], iteration_bounds = array<i64: 5>, scalar_prefetch = 0 : i64, scratch_operands = 0 : i64, tpu.core_type = #tpu.core_type<tc>, window_params = [{transform_indices = @transform_0, window_bounds = array<i64: 2, 2000, 128>}, {transform_indices = @transform_1, window_bounds = array<i64: 2000, 128>}]} {
    %get3A = arith.constant 0 : index
    %get3A_0 = arith.constant 0 : index
    %get3A_1 = arith.constant 0 : index
    %get3A_2 = vector.load %arg1[%get3A, %get3A_0, %get3A_1] : memref<2x2000x128xf32, #tpu.memory_space<vmem>>, vector<2x2000x128xf32>
    %reduce_sum3A = arith.constant dense<0.000000e+00> : vector<2000x128xf32>
    %reduce_sum3A_3 = vector.multi_reduction <add>, %get3A_2, %reduce_sum3A [0] : vector<2x2000x128xf32> to vector<2000x128xf32>
    %swap3A = arith.constant 0 : index
    %swap3A_4 = arith.constant 0 : index
    %swap3A_5 = vector.load %arg2[%swap3A, %swap3A_4] : memref<2000x128xf32, #tpu.memory_space<vmem>>, vector<2000x128xf32>
    tpu.vector_store %arg2[%swap3A, %swap3A_4], %reduce_sum3A_3 {strides = array<i32>} : memref<2000x128xf32, #tpu.memory_space<vmem>>, vector<2000x128xf32>,
    return
  }
  func.func @transform_0(%arg0: i32) -> (i32, i32, i32) {
    %c0_i32 = arith.constant 0 : i32
    %c0_i32_0 = arith.constant 0 : i32
    %c0_i32_1 = arith.constant 0 : i32
    return %c0_i32, %arg0, %c0_i32_0 : i32, i32, i32
  }
  func.func @transform_1(%arg0: i32) -> (i32, i32) {
    %c0_i32 = arith.constant 0 : i32
    %c0_i32_0 = arith.constant 0 : i32
    return %arg0, %c0_i32 : i32, i32
  }
}

</mosaic_0001>

<sc_bundles>
// kernel: kernel.6.cloned.1.call-start
scs
__scs_entry_jumppad:
0x0: {  	(pc) =	sbr.rel $0x88, $3  }
0x1: {  	(tag) =	ssettag $0x0;
	lr =	simm.s32 $0x1  }
0x2: {  	[smem:$0x3F9C] =	sst lr;
	_ =	strace $0xD0000000  }
0x3: {  	_ = 	snop  }
0x4: {  	_ = 	snop  }
0x5: {  	_ = 	snop  }
0x6: {  	_ = 	snop  }
0x7: {  	_ = 	snop  }
__scs_overlays_trampoline_lowered:
0x8: {  	[smem:$0x3FAB] =	sst s0  }
0x9: {  	[smem:$0x3FAC] =	sst s1  }
0xa: {  	[smem:$0x3FAD] =	sst s2  }
0xb: {  	[smem:$0x3FAE] =	sst s3  }
0xc: {  	[smem:$0x3FAF] =	sst s4  }
0xd: {  	[smem:$0x3FB0] =	sst s5  }
0xe: {  	[smem:$0x3FB1] =	sst s6  }
0xf: {  	[smem:$0x3FB2] =	sst s7  }
0x10: {  	[smem:$0x3FB3] =	sst s8  }
0x11: {  	[smem:$0x3FB4] =	sst s9;
	s0 =	simm.s32 @!p0 $0x0  }
0x12: {  	s1 =	sld [smem:$0x3F9A];
	s0 =	simm.s32 @p0 $0x1  }
0x13: {  	[smem:$0x3FB5] =	sst s0;
	s0 =	simm.s32 @!p1 $0x0  }
0x14: {  	s2 =	sld [smem:$0x3F99];
	s0 =	simm.s32 @p1 $0x1  }
0x15: {  	[smem:$0x3FB6] =	sst s0;
	s0 =	simm.s32 @!p2 $0x0  }
0x16: {  	s3 =	sld [smem:$0x3FDB];
	s0 =	simm.s32 @p2 $0x1  }
0x17: {  	s4 =	simm.s32 $0x1BF5;
	[smem:$0x3FB8] =	sst s0  }
0x18: {  	s0 =	sld [smem:$0x3F9B];
	_ =	swait.ge [sflag:s4], $0x0  }
0x19: {  	s7 =	sld [smem:$0x3F9C]  }
0x1a: {  	s8 =	sadd.s32 $0xFFFFE003, lr  }
0x1b: {  	s9 =	sadd.s32 $0xFFFFFEF7, lr;
	s5 =	simm.s32 $0xFFFFFFFF;
	p2 =	slt.u32 s8, $0xFFFFF086  }
0x1c: {  	p1 =	slt.u32 s9, $0xF7A;
	s5 =	simm.s32 @!p2 $0x0  }
0x1d: {  	s5 =	simm.s32 @p1 $0x1;
	p0 =	seq.s32 s7, s2  }
0x1e: {  	s7 =	smul.u32 @!p0 $0xF7A, s2;
	p2 =	seq.s32 @!p0 s5, $0x0  }
0x1f: {  	s9 =	smul.u32 $0xF7A, s1;
	s8 =	simm.s32 @!p0 $0x1BF5;
	p2 =	por !p2, p0  }
0x20: {  	[sflag:s8] =	ssyncset.s32 @!p0 $0xFFFFF086;
	s6 =	sadd.s32 @!p0 s3, s7;
	s7 =	simm.s32 @!p0 $0x108  }
0x21: {  	s3 =	sadd.s32 s3, s9;
	s6 =	sadd.s32 @!p0 $0x88, s6;
	s7 =	simm.s32 @p2 $0x1082  }
0x22: {  	[simem:s7], [sflag:s8] =	dma.local @!p0 [hbm:s6], $0xF7A  }
0x23: {  	s9 =	sor.u32 $0xD0000000, s2;
	s6 =	simm.s32 $0x108;
	_ =	swait.ge @!p0 [sflag:s8], $0x0  }
0x24: {  	s3 =	sadd.s32 $0x88, s3;
	s6 =	simm.s32 @!p1 $0x1082;
	[sflag:s4] =	ssyncset.s32 $0xFFFFF086  }
0x25: {  	[simem:s6], [sflag:s4] =	dma.local [hbm:s3], $0xF7A  }
0x26: {  	[smem:$0x3F9C] =	sst s1;
	(tag) =	ssettag s2;
	_ =	strace s9  }
0x27: {  	s1 =	sld [smem:$0x3FAC]  }
0x28: {  	s2 =	sld [smem:$0x3FAD]  }
0x29: {  	s4 =	sld [smem:$0x3FAF]  }
0x2a: {  	p0 =	seq.s32 s5, $0x0;
	s5 =	sld [smem:$0x3FB0]  }
0x2b: {  	s6 =	sld [smem:$0x3FB1]  }
0x2c: {  	s7 =	sld [smem:$0x3FB2]  }
0x2d: {  	s3 =	simm.s32 $0x108;
	s8 =	sld [smem:$0x3FB3]  }
0x2e: {  	s3 =	simm.s32 @!p0 $0x1082;
	s9 =	sld [smem:$0x3FB4]  }
0x2f: {  	lr =	sadd.s32 s0, s3;
	s0 =	sld [smem:$0x3FAB]  }
0x30: {  	s3 =	sld [smem:$0x3FAE]  }
0x31: {  	[smem:$0x3FB7] =	sst s10  }
0x32: {  	s10 =	sld [smem:$0x3FB5];
	_ =	sdelay $0x3  }
0x33: {  	p0 =	seq.s32 s10, $0x1;
	s10 =	sld [smem:$0x3FB7];
	_ =	sdelay $0x3  }
0x34: {  	[smem:$0x3FB7] =	sst s10  }
0x35: {  	s10 =	sld [smem:$0x3FB6];
	_ =	sdelay $0x3  }
0x36: {  	p1 =	seq.s32 s10, $0x1;
	s10 =	sld [smem:$0x3FB7];
	_ =	sdelay $0x3  }
0x37: {  	[smem:$0x3FB7] =	sst s10  }
0x38: {  	s10 =	sld [smem:$0x3FB8]  }
0x39: {  	_ = 	snop;
	(pc) =	sbr.ind lr, $3  }
0x3a: {  	_ = 	snop  }
0x3b: {  	_ = 	snop  }
0x3c: {  	p2 =	seq.s32 s10, $0x1;
	s10 =	sld [smem:$0x3FB7]  }
0x3d: {  	_ =	shalt  }
0x3e: {  	_ =	shalt  }
0x3f: {  	_ =	shalt  }
0x40: {  	_ =	shalt  }
0x41: {  	_ =	shalt  }
0x42: {  	_ =	shalt  }
0x43: {  	_ =	shalt  }
0x44: {  	_ =	shalt  }
0x45: {  	_ =	shalt  }
0x46: {  	_ =	shalt  }
0x47: {  	_ =	shalt  }
0x48: {  	_ =	shalt  }
0x49: {  	_ =	shalt  }
0x4a: {  	_ =	shalt  }
0x4b: {  	_ =	shalt  }
0x4c: {  	_ =	shalt  }
0x4d: {  	_ =	shalt  }
0x4e: {  	_ =	shalt  }
0x4f: {  	_ =	shalt  }
0x50: {  	_ =	shalt  }
0x51: {  	_ =	shalt  }
0x52: {  	_ =	shalt  }
0x53: {  	_ =	shalt  }
0x54: {  	_ =	shalt  }
0x55: {  	_ =	shalt  }
0x56: {  	_ =	shalt  }
0x57: {  	_ =	shalt  }
0x58: {  	_ =	shalt  }
0x59: {  	_ =	shalt  }
0x5a: {  	_ =	shalt  }
0x5b: {  	_ =	shalt  }
0x5c: {  	_ =	shalt  }
0x5d: {  	_ =	shalt  }
0x5e: {  	_ =	shalt  }
0x5f: {  	_ =	shalt  }
0x60: {  	_ =	shalt  }
0x61: {  	_ =	shalt  }
0x62: {  	_ =	shalt  }
0x63: {  	_ =	shalt  }
0x64: {  	_ =	shalt  }
0x65: {  	_ =	shalt  }
0x66: {  	_ =	shalt  }
0x67: {  	_ =	shalt  }
0x68: {  	_ =	shalt  }
0x69: {  	_ =	shalt  }
0x6a: {  	_ =	shalt  }
0x6b: {  	_ =	shalt  }
0x6c: {  	_ =	shalt  }
0x6d: {  	_ =	shalt  }
0x6e: {  	_ =	shalt  }
0x6f: {  	_ =	shalt  }
0x70: {  	_ =	shalt  }
0x71: {  	_ =	shalt  }
0x72: {  	_ =	shalt  }
0x73: {  	_ =	shalt  }
0x74: {  	_ =	shalt  }
0x75: {  	_ =	shalt  }
0x76: {  	_ =	shalt  }
0x77: {  	_ =	shalt  }
0x78: {  	_ =	shalt  }
0x79: {  	_ =	shalt  }
0x7a: {  	_ =	shalt  }
0x7b: {  	_ =	shalt  }
0x7c: {  	_ =	shalt  }
0x7d: {  	_ =	shalt  }
0x7e: {  	_ =	shalt  }
0x7f: {  	_ =	shalt  }
0x80: {  	_ =	shalt  }
0x81: {  	_ =	shalt  }
0x82: {  	_ =	shalt  }
0x83: {  	_ =	shalt  }
0x84: {  	_ =	shalt  }
0x85: {  	_ =	shalt  }
0x86: {  	_ =	shalt  }
0x87: {  	_ =	shalt  }
.Lfunc_end0:
.L_simem_size_0:
called_computation_lowered:
.L_overlay_start_0:
0x88: {  	s2 =	sld [smem:$0x3FD9]  }
0x89: {  	s3 =	sld [smem:$0x3FFE];
	_ =	sdelay $0x1  }
0x8a: {  	s1 =	srdreg.scid  }
0x8b: {  	s0 =	sand.u32 $0x1, s1  }
0x8c: {  	s17 =	sshll.u32 s0, $0xA;
	s2 =	sadd.s32 s3, s2  }
0x8d: {  	s2 =	sadd.s32 s2, s17  }
0x8e: {  	[smem:$0x3FC3] =	sst s2  }
0x8f: {  	_ = 	snop  }
0x90: {  	s2 =	sld [smem:$0x3FD0];
	(tm) =	ssettm $0x1  }
0x91: {  	s18 =	sld [smem:$0x3FFB];
	_ =	sdelay $0x3  }
0x92: {  	_ =	strace s18  }
0x93: {  	s3 =	sld [smem:$0x3FFC];
	_ =	sdelay $0x3  }
0x94: {  	_ =	strace s3  }
0x95: {  	s3 =	sld [smem:$0x3FFD];
	_ =	sdelay $0x3  }
0x96: {  	_ =	strace s3  }
0x97: {  	_ =	strace $0x8FFFFFFF  }
0x98: {  	s19 =	sld [smem:$0x3FDB];
	_ =	sdelay $0x1  }
0x99: {  	s4 =	simm.s32 $_scs_section_size  }
0x9a: {  	s5 =	simm.s32 $_size__tile_overlayer_lowered;
	s6 =	simm.s32 $_tile_overlayer_lowered  }
0x9b: {  	s22 =	simm.s32 $0x1BFF;
	s21 =	sshll.u32 s6, $0x1;
	s3 =	sadd.s32 s4, s19  }
0x9c: {  	s7 =	simm.s32 $0x0;
	s20 =	sshll.u32 s5, $0x1;
	s5 =	sadd.s32 s21, s3  }
0x9d: {  	[timem:s7], [sflag:s22] =	dma.local [hbm:s5], s20  }
0x9e: {  	_ =	swait.ge [sflag:s22], s20  }
0x9f: {  	s4 =	ssub.s32 $0x0, s20;
	[sflag:s22] =	ssyncset.done $0x0  }
0xa0: {  	[sflag:s22] =	ssyncadd.s32 s4;
	_ =	sdelay $0x1  }
0xa1: {  	s23 =	simm.s32 $0x1B8B  }
0xa2: {  	_ =	swait.ge [sflag:s23], $0x1  }
0xa3: {  	[sflag:s23] =	ssyncset.done $0x0  }
0xa4: {  	s25 =	simm.s32 $0x1B8E;
	s24 =	sld [smem:$0x3FFE];
	[sflag:s23] =	ssyncadd.s32 $0xFFFFFFFF  }
0xa5: {  	s26 =	simm.s32 $execute0_lowered;
	[smem:$0x3FD2] =	sst s25  }
0xa6: {  	s5 =	sshll.u32 s26, $0x1;
	_ =	strace $0x80000046;
	[dreg:$0x1] =	wrdreg $0xFFFFFFFF  }
0xa7: {  	s28 =	simm.s32 $_size_execute0_lowered;
	s3 =	sadd.s32 s3, s5;
	[dreg:$0x0] =	wrdreg $0x0  }
0xa8: {  	s5 =	sshll.u32 s28, $0x1;
	[dreg:$0x2] =	wrdreg s3  }
0xa9: {  	[dreg:$0x3] =	wrdreg s5  }
0xaa: {  	[dreg:$0x4] =	wrdreg $0xC0  }
0xab: {  	_ =	task [dreg:s7], $0x5FFFF  }
0xac: {  	[dreg:$0x1] =	wrdreg $0xFFFFFFFF  }
0xad: {  	[dreg:$0x0] =	wrdreg $0x60  }
0xae: {  	[dreg:$0x2] =	wrdreg s24  }
0xaf: {  	[dreg:$0x3] =	wrdreg s2  }
0xb0: {  	[dreg:$0x4] =	wrdreg $0x41800  }
0xb1: {  	[dreg:$0x5] =	wrdreg $0x9  }
0xb2: {  	_ =	task.clear_ibuf [dreg:s7], $0x6FFFF;
	_ =	strace $0x90000046  }
0xb3: {  	s29 =	simm.s32 $0x9;
	_ =	strace $0x80000048  }
0xb4: {  	_ =	swait.ge [sflag:s29], $0x1  }
0xb5: {  	[sflag:s29] =	ssyncadd.s32 $0xFFFFFFFF  }
0xb6: {  	_ =	strace $0x90000048  }
0xb7: {  	_ =	sfence  }
0xb8: {  	s30 =	sld [smem:$0x0];
	_ =	sdelay $0x2  }
0xb9: {  	s31 =	sshll.u32 s1, $0xD;
	s1 =	sshrl.u32 s1, $0x2  }
0xba: {  	s3 =	sand.u32 $0x4000, s31;
	s1 =	sadd.s32 s1, s30  }
0xbb: {  	s0 =	sor.u32 s3, s0;
	s1 =	sshll.u32 s1, $0x11  }
0xbc: {  	s0 =	sor.u32 s1, s0  }
0xbd: {  	s0 =	sadd.s32 $0x8F2B, s0  }
0xbe: {  	[sflag:s0] =	ssyncadd.remote.s32 $0x1  }
0xbf: {  	_ =	sfence.sel $0xFFFF  }
0xc0: {  	[dreg:$0x0] =	wrdreg $0xFFFFFFFF;
	(pc) =	sbr.abs _section_cstart, $3  }
0xc1: {  	[dreg:$0x1] =	wrdreg $0xFFFFFFFF  }
0xc2: {  	_ =	task.clear_ibuf [dreg:s7], $0x2FFFF;
	_ =	strace $0x9FFFFFFF  }
0xc3: {  	(tm) =	ssettm $0x7FFFFFFF  }
tec
execute0_lowered:
.L_overlay_start_1:
0x0: {  	(tag) =	ssettag $0x1  }
0x1: {  	s8 =	rddreg [dreg:$0x0]  }
0x2: {  	s2 =	rddreg [dreg:$0x1]  }
0x3: {  	s3 =	rddreg [dreg:$0x2]  }
0x4: {  	s0 =	rddreg [dreg:$0x3];
	s1 =	stileid.u32  }
0x5: {  	s5 =	srdreg.scid;
	s4 =	simm.s32 $0x0;
	s16 =	simm.s32 $0x100  }
0x6: {  	s17 =	simm.s32 $0x180;
	s18 =	simm.s32 $0x1;
	s19 =	simm.s32 $0x2  }
0x7: {  	s9 =	smul.u32 $0x13C00, s1;
	s10 =	sand.u32 $0x1, s5;
	[smem:$0x7FF] =	sst s4  }
0x8: {  	s5 =	sadd.s32 $0x1600, s8;
	s6 =	sadd.s32 $0x161600, s8;
	s7 =	sadd.s32 $0x16B600, s8  }
0x9: {  	s13 =	smul.u32 $0x4F000, s1;
	s29 =	sshll.u32 s1, $0x1;
	s31 =	sshll.u32 s1, $0x6  }
0xa: {  	s11 =	smul.u32 $0x13C000, s10;
	_ =	strace $0x80000047;
	s26 =	ssub.s32 $0x2, s10  }
0xb: {  	s10 =	sor.u32 s10, s29;
	s12 =	sshrl.u32 s9, $0x3;
	s28 =	sshrl.u32 s26, $0x1  }
0xc: {  	s30 =	sshrl.u32 s13, $0x2;
	s10 =	smul.u32 $0x2800, s10;
	s9 =	sadd.s32 s9, s11  }
0xd: {  	s12 =	sadd.s32 s12, s8;
	s13 =	sadd.s32 s30, s3;
	s9 =	sshrl.u32 s9, $0x3  }
0xe: {  	s15 =	ssub.s32 s26, s28;
	s13 =	sshrl.u32 s13, $0x3;
	s14 =	sadd.s32 s9, s8  }
0xf: {  	s8 =	sadd.s32 $0x139E00, s12;
	s9 =	sor.u32 $0x1C03, s31;
	s12 =	smax.u32 s15, $0x1  }
0x10: {  	s15 =	simm.s32 $0x80;
	s11 =	sadd.s32 $0x175600, s14;
	s14 =	simm.s32 $0x3  }
.LBB2_1:
0x11: {  	[spmem:s13], [sflag:s9] =	dma.local [hbm:s8], $0x2780  }
0x12: {  	_ =	swait.ge [sflag:s14], $0x2780  }
0x13: {  	[sflag:s14] =	ssyncset.done $0x0  }
0x14: {  	[sflag:s14] =	ssyncadd.s32 $0xFFFFD880  }
0x15: {  	s20 =	simm.s32 $0x0;
	[bflag:$0x0] =	sbarrier.arrive $0xFFFF  }
.LBB2_2:
0x16: {  	s21 =	sshll.u32 s20, $0x7  }
0x17: {  	s22 =	sand.u32 $0x3C00, s21  }
0x18: {  	s21 =	sand.u32 $0x380, s21;
	s22 =	sadd.s32 s10, s22  }
0x19: {  	s21 =	sor.u32 s21, s22  }
0x1a: {  	s21 =	sshrl.u32 s21, $0x3  }
0x1b: {  	s23 =	simm.s32 $0x0;
	s29 =	sadd.s32 s2, s21  }
0x1c: {  	[tilespmem:s23], [sflag:$0x3] =	stream.linear.gather [hbm4b:s29+s23], $0x80, $0x38;
	[tilespmem:$0x17D80] =	vst v63  }
0x1d: {  	_ =	swait.ge [sflag:s14], $0x80  }
0x1e: {  	[sflag:s14] =	ssyncset.done $0x0  }
0x1f: {  	s30 =	sadd.s32 s6, s21;
	[sflag:s14] =	ssyncadd.s32 $0xFFFFFF80  }
0x20: {  	[tilespmem:s15], [sflag:$0x3] =	stream.linear.gather [hbm4b:s30+s23], $0x80, $0x38;
	[tilespmem:$0x17D80] =	vst v63  }
0x21: {  	_ =	swait.ge [sflag:s14], $0x80  }
0x22: {  	[sflag:s14] =	ssyncset.done $0x0  }
0x23: {  	s21 =	sadd.s32 s7, s21;
	[sflag:s14] =	ssyncadd.s32 $0xFFFFFF80  }
0x24: {  	[tilespmem:s16], [sflag:$0x3] =	stream.linear.gather [hbm4b:s21+s23], $0x80, $0x38;
	[tilespmem:$0x17D80] =	vst v63  }
0x25: {  	v0 =	vmov s23;
	_ =	swait.ge [sflag:s14], $0x80  }
0x26: {  	v0 =	vand.u32 $0xFFFFFFFE, v0;
	[sflag:s14] =	ssyncset.done $0x0  }
0x27: {  	v1 =	vbroadcast v0, $0x0;
	[sflag:s14] =	ssyncadd.s32 $0xFFFFFF80  }
0x28: {  	[tilespmem:s17], [sflag:$0x1] =	stream.indirect.gather [hbm4b:s5+s15], $0x80, s23, s15, $0xb8;
	[tilespmem:$0x17D80] =	vst v63  }
0x29: {  	_ =	swait.ge [sflag:s18], $0x4000  }
0x2a: {  	[sflag:s18] =	ssyncset.done $0x0  }
0x2b: {  	s21 =	simm.s32 $0x200;
	[sflag:s18] =	ssyncadd.s32 $0xFFFFC000  }
0x2c: {  	v4 =	vld [tilespmem:s21+$0xFFFFFFF0]  }
0x2d: {  	v5 =	vld.idx.msk [tilespmem:v1+s16+$0x0], $0xffff  }
0x2e: {  	v6 =	vld [tilespmem:s21+$0xFFFFFF80]  }
0x2f: {  	v7 =	vld [tilespmem:s21+$0xFFFFFFA0]  }
0x30: {  	v3 =	vld [tilespmem:s21+$0xFFFFFFB0]  }
0x31: {  	v2 =	vld [tilespmem:s21+$0xFFFFFFD0]  }
0x32: {  	v9 =	vld [tilespmem:s21+$0xFFFFFF90];
	v4 =	vmul.f32 v4, v5  }
0x33: {  	v8 =	vld [tilespmem:s21+$0xFFFFFFE0];
	v6 =	vmul.f32 v6, v5  }
0x34: {  	v10 =	vld [tilespmem:s21+$0xFFFFFFC0];
	v7 =	vmul.f32 v7, v5;
	[tilespmem:s21+$0xFFFFFFF0] =	vst v4  }
0x35: {  	v3 =	vmul.f32 v3, v5;
	[tilespmem:s21+$0xFFFFFF80] =	vst v6  }
0x36: {  	s31 =	simm.s32 $0x1;
	v2 =	vmul.f32 v2, v5;
	[tilespmem:s21+$0xFFFFFFA0] =	vst v7  }
0x37: {  	v4 =	vmul.f32 v9, v5;
	[tilespmem:s21+$0xFFFFFFB0] =	vst v3;
	v6 =	vmov s31  }
0x38: {  	v0 =	vld [tilespmem:s21+$0x0];
	v3 =	vmul.f32 v8, v5;
	[tilespmem:s21+$0xFFFFFFD0] =	vst v2  }
0x39: {  	v1 =	vld [tilespmem:s21+$0x10];
	v2 =	vmul.f32 v10, v5;
	[tilespmem:s21+$0xFFFFFF90] =	vst v4  }
0x3a: {  	[tilespmem:s21+$0xFFFFFFE0] =	vst v3;
	v4 =	vld [tilespmem:s21+$0x30]  }
0x3b: {  	[tilespmem:s21+$0xFFFFFFC0] =	vst v2;
	v3 =	vld [tilespmem:s21+$0x70]  }
0x3c: {  	s22 =	simm.s32 $0x2;
	s23 =	simm.s32 $0x200;
	v2 =	vld.idx.msk [tilespmem:v6+s16+$0x0], $0xffff  }
.LBB2_3:
0x3d: {  	p0 =	slt.u32 s22, $0x7E  }
0x3e: {  	v5 =	vld [tilespmem:s21+$0x20];
	s23 =	sadd.s32 $0x100, s23;
	s24 =	smov.u32 s22;
	s22 =	sadd.s32 $0x2, s22  }
0x3f: {  	v6 =	vld [tilespmem:s21+$0x40]  }
0x40: {  	v7 =	vld [tilespmem:s21+$0x50]  }
0x41: {  	v8 =	vld [tilespmem:s21+$0x60];
	_ =	sdelay $0x1  }
0x42: {  	v0 =	vmul.f32 v0, v2;
	v1 =	vmul.f32 v1, v2  }
0x43: {  	v4 =	vmul.f32 v4, v2;
	v5 =	vmul.f32 v5, v2  }
0x44: {  	v9 =	vmov s24;
	v6 =	vmul.f32 v6, v2;
	[tilespmem:s21+$0x0] =	vst v0;
	v7 =	vmul.f32 v7, v2  }
0x45: {  	v9 =	vand.u32 $0xFFFFFFFE, v9;
	v0 =	vld [tilespmem:s23+$0x0];
	[tilespmem:s21+$0x30] =	vst v4;
	v4 =	vmul.f32 v8, v2;
	v2 =	vmul.f32 v3, v2  }
0x46: {  	v3 =	vbroadcast v9, $0x0;
	[tilespmem:s21+$0x10] =	vst v1  }
0x47: {  	[tilespmem:s21+$0x70] =	vst v2  }
0x48: {  	v2 =	vld [tilespmem:s23+$0xFFFFFFD0];
	[tilespmem:s21+$0x20] =	vst v5  }
0x49: {  	v5 =	vld [tilespmem:s23+$0xFFFFFFB0];
	[tilespmem:s21+$0x60] =	vst v4  }
0x4a: {  	v4 =	vld [tilespmem:s23+$0xFFFFFFE0];
	[tilespmem:s21+$0x40] =	vst v6  }
0x4b: {  	v6 =	vld [tilespmem:s23+$0xFFFFFFF0];
	[tilespmem:s21+$0x50] =	vst v7;
	s21 =	smov.u32 s23  }
0x4c: {  	v3 =	vld.idx.msk [tilespmem:v3+s16+$0x0], $0xffff  }
0x4d: {  	v7 =	vld [tilespmem:s23+$0xFFFFFF80]  }
0x4e: {  	v8 =	vld [tilespmem:s23+$0xFFFFFFA0]  }
0x4f: {  	v9 =	vld [tilespmem:s23+$0xFFFFFF90]  }
0x50: {  	v10 =	vld [tilespmem:s23+$0xFFFFFFC0]  }
0x51: {  	v1 =	vld [tilespmem:s23+$0x10]  }
0x52: {  	v6 =	vmul.f32 v6, v3;
	v7 =	vmul.f32 v7, v3  }
0x53: {  	v4 =	vmul.f32 v4, v3;
	v8 =	vmul.f32 v8, v3  }
0x54: {  	v5 =	vmul.f32 v5, v3;
	v9 =	vmul.f32 v9, v3;
	[tilespmem:s23+$0xFFFFFFF0] =	vst v6  }
0x55: {  	v2 =	vmul.f32 v2, v3;
	[tilespmem:s23+$0xFFFFFF80] =	vst v7;
	v6 =	vmul.f32 v10, v3  }
0x56: {  	s24 =	sadd.s32 $0x1, s24;
	[tilespmem:s23+$0xFFFFFFA0] =	vst v8  }
0x57: {  	[tilespmem:s23+$0xFFFFFFB0] =	vst v5;
	v5 =	vmov s24  }
.Ltmp0:
0x58: {  	[tilespmem:s23+$0xFFFFFFD0] =	vst v2;
	(pc) =	sbr.rel @p0 .LBB2_3-.Ltmp0, $4  }
0x59: {  	[tilespmem:s23+$0xFFFFFF90] =	vst v9  }
0x5a: {  	[tilespmem:s23+$0xFFFFFFE0] =	vst v4;
	v4 =	vld [tilespmem:s23+$0x30]  }
0x5b: {  	[tilespmem:s23+$0xFFFFFFC0] =	vst v6;
	v3 =	vld [tilespmem:s23+$0x70]  }
0x5c: {  	v2 =	vld.idx.msk [tilespmem:v5+s16+$0x0], $0xffff  }
0x5d: {  	_ =	sdelay $0x2  }
0x5e: {  	v5 =	vld [tilespmem:s21+$0x20]  }
0x5f: {  	v6 =	vld [tilespmem:s21+$0x60];
	v0 =	vmul.f32 v0, v2  }
0x60: {  	v7 =	vld [tilespmem:s21+$0x40];
	v4 =	vmul.f32 v4, v2  }
0x61: {  	v8 =	vld [tilespmem:s21+$0x50];
	v1 =	vmul.f32 v1, v2;
	[tilespmem:s21+$0x0] =	vst v0  }
0x62: {  	v59 =	vmul.f32 v3, v2;
	[tilespmem:s21+$0x30] =	vst v4  }
0x63: {  	v60 =	vmul.f32 v5, v2;
	[tilespmem:s21+$0x10] =	vst v1  }
0x64: {  	v61 =	vmul.f32 v6, v2;
	[tilespmem:s21+$0x70] =	vst v59  }
0x65: {  	v62 =	vmul.f32 v7, v2;
	[tilespmem:s21+$0x20] =	vst v60  }
0x66: {  	s20 =	sadd.s32 $0x1, s20;
	v63 =	vmul.f32 v8, v2;
	[tilespmem:s21+$0x60] =	vst v61  }
0x67: {  	p0 =	sne.s32 s20, $0x4F;
	[tilespmem:s21+$0x40] =	vst v62  }
.Ltmp1:
0x68: {  	[tilespmem:s21+$0x50] =	vst v63;
	(pc) =	sbr.rel @p0 .LBB2_2-.Ltmp1, $4  }
0x69: {  	[spmem:s3] =	stream.indirect.scatter.add.f32 [tilespmem:s17], [sflag:$0x2], $0x80, s15, s15, $0xb8;
	[tilespmem:$0x17D80] =	vst v63  }
0x6a: {  	_ =	swait.ge [sflag:s19], $0x4000  }
0x6b: {  	[sflag:s19] =	ssyncset.done $0x0  }
0x6c: {  	[sflag:s19] =	ssyncadd.s32 $0xFFFFC000  }
0x6d: {  	s4 =	sadd.s32 $0x1, s4  }
0x6e: {  	p0 =	sne.s32 s4, s12  }
.Ltmp2:
0x6f: {  	[bflag:$0x0] =	sbarrier.arrive $0xFFFF;
	(pc) =	sbr.rel @p0 .LBB2_1-.Ltmp2, $4  }
0x70: {  	[hbm:s11], [sflag:s9] =	dma.local [spmem:s13], $0x2780  }
0x71: {  	_ =	swait.ge [sflag:s14], $0x2780  }
0x72: {  	[sflag:s14] =	ssyncset.done $0x0  }
0x73: {  	[sflag:s14] =	ssyncadd.s32 $0xFFFFD880  }
0x74: {  	_ =	sfence.sel $0x180000  }
0x75: {  	[bflag:$0x0] =	sbarrier.arrive $0xFFFF  }
0x76: {  	p0 =	sne.s32 s1, $0x0;
	_ =	strace $0x90000047  }
0x77: {  	s0 =	sadd.s32 @!p0 $0x100000, s0;
	[bflag:$0x2] =	sbarrier.arrive $0xFFFF  }
0x78: {  	[sflag:s0] =	ssyncadd.tile.s32 @!p0 $0x1;
	_ =	shalt  }
.Lfunc_end2:
_tile_overlayer_lowered:
.L_overlay_start_2:
0x79: {  	(tag) =	ssettag $0x2  }
0x7a: {  	s0 =	rddreg [dreg:$0x0];
	s2 =	stileid.u32  }
0x7b: {  	s1 =	rddreg [dreg:$0x1];
	p0 =	sne.s32 s2, $0x0  }
0x7c: {  	s3 =	rddreg [dreg:$0x2];
	[bflag:$0x3] =	sbarrier.arrive $0xFFFF;
	s2 =	simm.s32 @!p0 $0x1C03  }
0x7d: {  	[timem:s3], [sflag:s2] =	dma.local @!p0 [hbm:s0], s1  }
0x7e: {  	s0 =	simm.s32 @!p0 $0x3  }
0x7f: {  	_ =	swait.ge @!p0 [sflag:s0], s1  }
0x80: {  	s1 =	ssub.s32 @!p0 $0x0, s1;
	[sflag:s0] =	ssyncset.done @!p0 $0x0  }
0x81: {  	[sflag:s0] =	ssyncadd.s32 @!p0 s1  }
0x82: {  	[bflag:$0x3] =	sbarrier.arrive $0xFFFF  }
0x83: {  	_ =	shalt  }

</sc_bundles>
